<compile_context>
chip_gen: v7x
topology: tpu7x:2x2x1
jax: 0.10.2.dev20260603
libtpu: 0.0.44.dev20260713+nightly
codegen_flags: <defaults>
</compile_context>

<pallas_src>
import functools

import jax
import jax.numpy as jnp
from jax import lax
from jax.experimental import pallas as pl
from jax.experimental.pallas import tpu as pltpu
from jax.experimental.pallas import tpu_sc as plsc

_NC, _NS = 2, 16
_NW = _NC * _NS
_CHUNK = 120
_NBUF = 2


@functools.lru_cache(maxsize=None)
def _make_sc_gather(V, D, B):
    b_per_w = B // _NW
    nchunks = b_per_w // _CHUNK
    mesh = plsc.VectorSubcoreMesh(core_axis_name="c", subcore_axis_name="s")

    @functools.partial(
        pl.kernel,
        out_type=jax.ShapeDtypeStruct((B, D), jnp.float32),
        mesh=mesh,
        scratch_types=[
            pltpu.VMEM((b_per_w,), jnp.int32),
            pltpu.VMEM((_NBUF, _CHUNK, D), jnp.float32),
            [pltpu.SemaphoreType.DMA] * _NBUF,
        ],
    )
    def sc_gather(table_hbm, idx_hbm, out_hbm, idx_v, buf_v, sems):
        wid = lax.axis_index("s") * _NC + lax.axis_index("c")
        base = wid * b_per_w
        pltpu.sync_copy(idx_hbm.at[pl.ds(base, b_per_w)], idx_v)

        def start(ci, b):
            pltpu.async_copy(
                table_hbm.at[idx_v.at[pl.ds(ci * _CHUNK, _CHUNK)]],
                buf_v.at[b], sems[b])

        def wait(b):
            pltpu.make_async_copy(
                table_hbm.at[idx_v.at[pl.ds(0, _CHUNK)]],
                buf_v.at[b], sems[b]).wait()

        for b in range(_NBUF):
            start(b, b)

        def body(j, carry):
            for b in range(_NBUF):
                ci = j * _NBUF + b
                wait(b)
                pltpu.sync_copy(
                    buf_v.at[b],
                    out_hbm.at[pl.ds(base + ci * _CHUNK, _CHUNK)])

                @pl.when(ci + _NBUF < nchunks)
                def _():
                    start(ci + _NBUF, b)
            return carry

        lax.fori_loop(0, nchunks // _NBUF, body, 0)

    return sc_gather


def _attention_body(e_ref, u_ref, w1_ref, b1_ref, w2_ref, b2_ref, w3_ref,
                    o_ref):
    bn, d = u_ref.shape
    k = e_ref.shape[0] // bn
    e3 = e_ref[...].reshape(k, bn, d)
    e2 = e_ref[...]
    w1 = w1_ref[...]
    pn = jnp.dot(u_ref[...], w1[d:, :],
                 preferred_element_type=jnp.float32) + b1_ref[...]
    h = jnp.dot(e2, w1[:d, :],
                preferred_element_type=jnp.float32)
    h = h + jnp.broadcast_to(pn[None, :, :], (k, bn, d)).reshape(k * bn, d)
    h = jnp.maximum(h, 0.0).astype(jnp.bfloat16)
    h = jnp.dot(h, w2_ref[...].astype(jnp.bfloat16),
                preferred_element_type=jnp.float32)
    h = jnp.maximum(h + b2_ref[...], 0.0).astype(jnp.bfloat16)
    s = jnp.dot(h, w3_ref[...].astype(jnp.bfloat16),
                preferred_element_type=jnp.float32)
    w = jnp.exp(s).reshape(k, bn, 1)
    wb = jnp.broadcast_to(w, (k, bn, d))
    num = jnp.sum(wb * e3, axis=0)
    den = jnp.sum(wb, axis=0)
    o_ref[...] = num / den


@functools.lru_cache(maxsize=None)
def _make_attention(N, K, D, BN, B):
    grid = (N // BN,)
    ublk0 = N * K // BN
    return pl.pallas_call(
        _attention_body,
        grid=grid,
        in_specs=[
            pl.BlockSpec((BN * K, D), lambda i: (i, 0)),
            pl.BlockSpec((BN, D), lambda i: (i + ublk0, 0)),
            pl.BlockSpec((2 * D, D), lambda i: (0, 0)),
            pl.BlockSpec((1, D), lambda i: (0, 0)),
            pl.BlockSpec((D, D), lambda i: (0, 0)),
            pl.BlockSpec((1, D), lambda i: (0, 0)),
            pl.BlockSpec((D, 1), lambda i: (0, 0)),
        ],
        out_specs=pl.BlockSpec((BN, D), lambda i: (i, 0)),
        out_shape=jax.ShapeDtypeStruct((N, D), jnp.float32),
        compiler_params=pltpu.CompilerParams(
            dimension_semantics=("parallel",)),
    )


def kernel(nodes, to_neighs, u2e, W1, b1, W2, b2, W3, b3):
    N, K = to_neighs.shape
    V, D = u2e.shape
    nidx = N * K + N
    unit = _NW * _CHUNK * _NBUF
    B = ((nidx + unit - 1) // unit) * unit
    bn = 400
    idx_e = to_neighs.reshape(N // bn, bn, K).transpose(0, 2, 1).reshape(-1)
    all_idx = jnp.concatenate([
        idx_e,
        nodes,
        jnp.zeros((B - nidx,), jnp.int32),
    ])
    gathered = _make_sc_gather(V, D, B)(u2e, all_idx)
    return _make_attention(N, K, D, bn, B)(
        gathered, gathered, W1, b1.reshape(1, D), W2, b2.reshape(1, D), W3)

# --- scband reference (transcript-rebuilt; emitter-appended) ---
"""Pipeline reference for scband-social-aggregator-1821066134227 (READ-ONLY COPY).

The authoritative reference and input builder live on the scoring server;
editing this copy changes nothing except your own understanding.
"""

import jax, jax.numpy as jnp
import numpy as np

N, K, V, D = 10000, 32, 100000, 128

def setup_inputs(seed: int = 0) -> dict:
    key = jax.random.key(seed)
    ks = jax.random.split(key, 9)
    nodes = jax.random.randint(ks[0], (N,), 0, V, dtype=jnp.int64 if jax.config.jax_enable_x64 else jnp.int32).astype(jnp.int32)
    to_neighs = jax.random.randint(ks[1], (N, K), 0, V).astype(jnp.int32)
    u2e = jax.random.normal(ks[2], (V, D), dtype=jnp.float32) * 0.02
    W1 = jax.random.normal(ks[3], (2 * D, D), dtype=jnp.float32) * 0.05
    b1 = jnp.zeros((D,), dtype=jnp.float32)
    W2 = jax.random.normal(ks[4], (D, D), dtype=jnp.float32) * 0.05
    b2 = jnp.zeros((D,), dtype=jnp.float32)
    W3 = jax.random.normal(ks[5], (D, 1), dtype=jnp.float32) * 0.05
    b3 = jnp.zeros((1,), dtype=jnp.float32)
    return {"nodes": nodes, "to_neighs": to_neighs, "u2e": u2e,
            "W1": W1, "b1": b1, "W2": W2, "b2": b2, "W3": W3, "b3": b3}

def reference(nodes, to_neighs, u2e, W1, b1, W2, b2, W3, b3):
    # features(neighbors): embedding gather -> e_u per node [K, D]
    e_u = jnp.take(u2e, to_neighs, axis=0)                  # [N, K, D]
    # u_rep = features(nodes[i]) squeezed
    u_rep = jnp.take(u2e, nodes, axis=0)                    # [N, D]
    # Attention: uv_reps = u_rep.repeat(num_neighs, 1); cat((e_u, uv_reps), 1)
    u_rep_b = jnp.broadcast_to(u_rep[:, None, :], e_u.shape)  # [N, K, D]
    x = jnp.concatenate([e_u, u_rep_b], axis=-1)            # [N, K, 2D]
    h = jax.nn.relu(x @ W1 + b1)                            # att1 + relu
    h = jax.nn.relu(h @ W2 + b2)                            # att2 + relu (dropout off / eval)
    s = h @ W3 + b3                                         # att3 -> [N, K, 1]
    att_w = jax.nn.softmax(s, axis=1)                       # softmax over neighbors (dim=0 per node)
    # att_history = mm(e_u.t(), att_w).t() -> weighted sum of neighbor embeddings
    to_feats = jnp.sum(att_w * e_u, axis=1)                 # [N, D]
    return to_feats

if False:  # reference __main__ guard neutralized (emitter)
    out = reference(**setup_inputs())
    print(out.shape, out.dtype)

if __name__ == "__main__":
    import jax
    _d = setup_inputs()
    print(jax.jit(kernel)(*tuple(_d.values())))

</pallas_src>

<mosaic_0001>
#map = affine_map<(d0, d1) -> (0, 0)>
#map1 = affine_map<(d0, d1) -> (0)>
module attributes {stable_mosaic.version = 14 : i64} {
  func.func @sc_gather(%arg0: i32, %arg1: i32, %arg2: memref<100000x128xf32, #tpu.memory_space<hbm>>, %arg3: memref<330240xi32, #tpu.memory_space<hbm>>, %arg4: memref<330240x128xf32, #tpu.memory_space<hbm>>, %arg5: memref<10320xi32, #tpu.memory_space<vmem>>, %arg6: memref<2x120x128xf32, #tpu.memory_space<vmem>>, %arg7: memref<!tpu.dma_semaphore, #tpu.memory_space<semaphore_mem>>, %arg8: memref<!tpu.dma_semaphore, #tpu.memory_space<semaphore_mem>>) attributes {dimension_semantics = [#tpu.dimension_semantics<core_parallel>, #tpu.dimension_semantics<subcore_parallel>], iteration_bounds = array<i64: 2, 16>, scalar_prefetch = 0 : i64, scratch_operands = 4 : i64, tpu.core_type = #tpu.core_type<sc_vector_subcore>, window_params = [{transform_indices = #map}, {transform_indices = #map1}, {transform_indices = #map}]} {
    %mul3A = arith.constant 2 : i32
    %mul3A_0 = arith.muli %arg1, %mul3A : i32
    %add3A = arith.addi %mul3A_0, %arg0 : i32
    %mul3A_1 = arith.constant 10320 : i32
    %mul3A_2 = arith.muli %add3A, %mul3A_1 : i32
    "tpu.region"() ({
      %run_scoped3A = tpu.sem_alloc : memref<!tpu.dma_semaphore, #tpu.memory_space<semaphore_mem>>
      %dma_start3A_27 = tpu.memref_slice %arg3[%mul3A_2] : memref<330240xi32, #tpu.memory_space<hbm>> -> memref<10320xi32, #tpu.memory_space<hbm>>
      %dma_start3A_28 = tpu.memref_slice %arg3[%mul3A_2] : memref<330240xi32, #tpu.memory_space<hbm>> -> memref<10320xi32, #tpu.memory_space<hbm>>
      tpu.enqueue_dma source(%dma_start3A_28 : memref<10320xi32, #tpu.memory_space<hbm>>) target(%arg5 : memref<10320xi32, #tpu.memory_space<vmem>>) target_semaphore(%run_scoped3A : memref<!tpu.dma_semaphore, #tpu.memory_space<semaphore_mem>>)
      %dma_wait3A = tpu.memref_slice %arg3[%mul3A_2] : memref<330240xi32, #tpu.memory_space<hbm>> -> memref<10320xi32, #tpu.memory_space<hbm>>
      %dma_wait3A_29 = tpu.memref_slice %arg3[%mul3A_2] : memref<330240xi32, #tpu.memory_space<hbm>> -> memref<10320xi32, #tpu.memory_space<hbm>>
      tpu.wait_dma2 semaphore(%run_scoped3A : memref<!tpu.dma_semaphore, #tpu.memory_space<semaphore_mem>>) src(%dma_wait3A_29 : memref<10320xi32, #tpu.memory_space<hbm>>) dst(%arg5 : memref<10320xi32, #tpu.memory_space<vmem>>)
      tpu.yield
    }) : () -> ()
    %dma_start3A = arith.constant 0 : i32
    %dma_start3A_3 = arith.constant 0 : i32
    %dma_start3A_4 = arith.constant 0 : i32
    %dma_start3A_5 = tpu.memref_slice %arg6[%dma_start3A, %dma_start3A_3, %dma_start3A_4] : memref<2x120x128xf32, #tpu.memory_space<vmem>> -> memref<1x120x128xf32, #tpu.memory_space<vmem>>
    %dma_start3A_6 = tpu.memref_squeeze %dma_start3A_5 : memref<1x120x128xf32, #tpu.memory_space<vmem>> -> memref<120x128xf32, #tpu.memory_space<vmem>>
    %dma_start3A_7 = arith.constant 0 : i32
    %dma_start3A_8 = tpu.memref_slice %arg5[%dma_start3A_7] : memref<10320xi32, #tpu.memory_space<vmem>> -> memref<120xi32, #tpu.memory_space<vmem>>
    %dma_start3A_9 = arith.constant 0 : i32
    %dma_start3A_10 = arith.constant 0 : i32
    %dma_start3A_11 = tpu.memref_slice %arg2[%dma_start3A_9, %dma_start3A_10] : memref<100000x128xf32, #tpu.memory_space<hbm>> -> memref<100000x128xf32, #tpu.memory_space<hbm>>
    tpu.enqueue_indirect_dma source(%dma_start3A_11 : memref<100000x128xf32, #tpu.memory_space<hbm>>) target(%dma_start3A_6 : memref<120x128xf32, #tpu.memory_space<vmem>>) offsets(%dma_start3A_8 : memref<120xi32, #tpu.memory_space<vmem>>) semaphore(%arg7 : memref<!tpu.dma_semaphore, #tpu.memory_space<semaphore_mem>>)
    %dma_start3A_12 = arith.constant 1 : i32
    %dma_start3A_13 = arith.constant 0 : i32
    %dma_start3A_14 = arith.constant 0 : i32
    %dma_start3A_15 = tpu.memref_slice %arg6[%dma_start3A_12, %dma_start3A_13, %dma_start3A_14] : memref<2x120x128xf32, #tpu.memory_space<vmem>> -> memref<1x120x128xf32, #tpu.memory_space<vmem>>
    %dma_start3A_16 = tpu.memref_squeeze %dma_start3A_15 : memref<1x120x128xf32, #tpu.memory_space<vmem>> -> memref<120x128xf32, #tpu.memory_space<vmem>>
    %dma_start3A_17 = arith.constant 120 : i32
    %dma_start3A_18 = tpu.memref_slice %arg5[%dma_start3A_17] : memref<10320xi32, #tpu.memory_space<vmem>> -> memref<120xi32, #tpu.memory_space<vmem>>
    %dma_start3A_19 = arith.constant 0 : i32
    %dma_start3A_20 = arith.constant 0 : i32
    %dma_start3A_21 = tpu.memref_slice %arg2[%dma_start3A_19, %dma_start3A_20] : memref<100000x128xf32, #tpu.memory_space<hbm>> -> memref<100000x128xf32, #tpu.memory_space<hbm>>
    tpu.enqueue_indirect_dma source(%dma_start3A_21 : memref<100000x128xf32, #tpu.memory_space<hbm>>) target(%dma_start3A_16 : memref<120x128xf32, #tpu.memory_space<vmem>>) offsets(%dma_start3A_18 : memref<120xi32, #tpu.memory_space<vmem>>) semaphore(%arg8 : memref<!tpu.dma_semaphore, #tpu.memory_space<semaphore_mem>>)
    %scan3A = arith.constant 0 : i32
    %scan3A_22 = arith.constant 0 : i32
    %scan3A_23 = arith.constant 43 : i32
    %scan3A_24 = arith.addi %scan3A_22, %scan3A_23 : i32
    %scan3A_25 = arith.constant 1 : i32
    scf.for %scan3A_27 = %scan3A_22 to %scan3A_24 step %scan3A_25  : i32 {
      %mul3A_28 = arith.constant 2 : i32
      %mul3A_29 = arith.muli %scan3A_27, %mul3A_28 : i32
      %add3A_30 = arith.constant 0 : i32
      %add3A_31 = arith.addi %mul3A_29, %add3A_30 : i32
      %dma_wait3A = arith.constant 0 : i32
      %dma_wait3A_32 = arith.constant 0 : i32
      %dma_wait3A_33 = arith.constant 0 : i32
      %dma_wait3A_34 = tpu.memref_slice %arg6[%dma_wait3A, %dma_wait3A_32, %dma_wait3A_33] : memref<2x120x128xf32, #tpu.memory_space<vmem>> -> memref<1x120x128xf32, #tpu.memory_space<vmem>>
      %dma_wait3A_35 = tpu.memref_squeeze %dma_wait3A_34 : memref<1x120x128xf32, #tpu.memory_space<vmem>> -> memref<120x128xf32, #tpu.memory_space<vmem>>
      %dma_wait3A_36 = arith.constant 0 : i32
      %dma_wait3A_37 = tpu.memref_slice %arg5[%dma_wait3A_36] : memref<10320xi32, #tpu.memory_space<vmem>> -> memref<120xi32, #tpu.memory_space<vmem>>
      %dma_wait3A_38 = arith.constant 0 : i32
      %dma_wait3A_39 = arith.constant 0 : i32
      %dma_wait3A_40 = tpu.memref_slice %arg2[%dma_wait3A_38, %dma_wait3A_39] : memref<100000x128xf32, #tpu.memory_space<hbm>> -> memref<100000x128xf32, #tpu.memory_space<hbm>>
      tpu.wait_indirect_dma semaphore(%arg7 : memref<!tpu.dma_semaphore, #tpu.memory_space<semaphore_mem>>) src(%dma_wait3A_40 : memref<100000x128xf32, #tpu.memory_space<hbm>>) dst(%dma_wait3A_35 : memref<120x128xf32, #tpu.memory_space<vmem>>)
      %mul3A_41 = arith.constant 120 : i32
      %mul3A_42 = arith.muli %add3A_31, %mul3A_41 : i32
      %add3A_43 = arith.addi %mul3A_2, %mul3A_42 : i32
      %run_scoped3A = arith.constant 0 : i32
      "tpu.region"() ({
        %run_scoped3A_73 = tpu.sem_alloc : memref<!tpu.dma_semaphore, #tpu.memory_space<semaphore_mem>>
        %dma_start3A_74 = arith.constant 0 : i32
        %dma_start3A_75 = arith.constant 0 : i32
        %dma_start3A_76 = tpu.memref_slice %arg6[%run_scoped3A, %dma_start3A_74, %dma_start3A_75] : memref<2x120x128xf32, #tpu.memory_space<vmem>> -> memref<1x120x128xf32, #tpu.memory_space<vmem>>
        %dma_start3A_77 = tpu.memref_squeeze %dma_start3A_76 : memref<1x120x128xf32, #tpu.memory_space<vmem>> -> memref<120x128xf32, #tpu.memory_space<vmem>>
        %dma_start3A_78 = arith.constant 0 : i32
        %dma_start3A_79 = tpu.memref_slice %arg4[%add3A_43, %dma_start3A_78] : memref<330240x128xf32, #tpu.memory_space<hbm>> -> memref<120x128xf32, #tpu.memory_space<hbm>>
        %dma_start3A_80 = arith.constant 0 : i32
        %dma_start3A_81 = tpu.memref_slice %arg4[%add3A_43, %dma_start3A_80] : memref<330240x128xf32, #tpu.memory_space<hbm>> -> memref<120x128xf32, #tpu.memory_space<hbm>>
        %dma_start3A_82 = arith.constant 0 : i32
        %dma_start3A_83 = arith.constant 0 : i32
        %dma_start3A_84 = tpu.memref_slice %arg6[%run_scoped3A, %dma_start3A_82, %dma_start3A_83] : memref<2x120x128xf32, #tpu.memory_space<vmem>> -> memref<1x120x128xf32, #tpu.memory_space<vmem>>
        %dma_start3A_85 = tpu.memref_squeeze %dma_start3A_84 : memref<1x120x128xf32, #tpu.memory_space<vmem>> -> memref<120x128xf32, #tpu.memory_space<vmem>>
        tpu.enqueue_dma source(%dma_start3A_85 : memref<120x128xf32, #tpu.memory_space<vmem>>) target(%dma_start3A_81 : memref<120x128xf32, #tpu.memory_space<hbm>>) target_semaphore(%run_scoped3A_73 : memref<!tpu.dma_semaphore, #tpu.memory_space<semaphore_mem>>)
        %dma_wait3A_86 = arith.constant 0 : i32
        %dma_wait3A_87 = arith.constant 0 : i32
        %dma_wait3A_88 = tpu.memref_slice %arg6[%run_scoped3A, %dma_wait3A_86, %dma_wait3A_87] : memref<2x120x128xf32, #tpu.memory_space<vmem>> -> memref<1x120x128xf32, #tpu.memory_space<vmem>>
        %dma_wait3A_89 = tpu.memref_squeeze %dma_wait3A_88 : memref<1x120x128xf32, #tpu.memory_space<vmem>> -> memref<120x128xf32, #tpu.memory_space<vmem>>
        %dma_wait3A_90 = arith.constant 0 : i32
        %dma_wait3A_91 = tpu.memref_slice %arg4[%add3A_43, %dma_wait3A_90] : memref<330240x128xf32, #tpu.memory_space<hbm>> -> memref<120x128xf32, #tpu.memory_space<hbm>>
        %dma_wait3A_92 = arith.constant 0 : i32
        %dma_wait3A_93 = tpu.memref_slice %arg4[%add3A_43, %dma_wait3A_92] : memref<330240x128xf32, #tpu.memory_space<hbm>> -> memref<120x128xf32, #tpu.memory_space<hbm>>
        %dma_wait3A_94 = arith.constant 0 : i32
        %dma_wait3A_95 = arith.constant 0 : i32
        %dma_wait3A_96 = tpu.memref_slice %arg6[%run_scoped3A, %dma_wait3A_94, %dma_wait3A_95] : memref<2x120x128xf32, #tpu.memory_space<vmem>> -> memref<1x120x128xf32, #tpu.memory_space<vmem>>
        %dma_wait3A_97 = tpu.memref_squeeze %dma_wait3A_96 : memref<1x120x128xf32, #tpu.memory_space<vmem>> -> memref<120x128xf32, #tpu.memory_space<vmem>>
        tpu.wait_dma2 semaphore(%run_scoped3A_73 : memref<!tpu.dma_semaphore, #tpu.memory_space<semaphore_mem>>) src(%dma_wait3A_97 : memref<120x128xf32, #tpu.memory_space<vmem>>) dst(%dma_wait3A_93 : memref<120x128xf32, #tpu.memory_space<hbm>>)
        tpu.yield
      }) : () -> ()
      %add3A_44 = arith.constant 2 : i32
      %add3A_45 = arith.addi %add3A_31, %add3A_44 : i32
      %lt3A = arith.constant 86 : i32
      %lt3A_46 = arith.cmpi slt, %add3A_45, %lt3A : i32
      %convert_element_type3A = arith.extui %lt3A_46 : i1 to i32
      %cond3A = arith.constant 0 : i32
      %cond3A_47 = arith.cmpi ne, %convert_element_type3A, %cond3A : i32
      scf.if %cond3A_47 {
        %add3A_73 = arith.constant 2 : i32
        %add3A_74 = arith.addi %add3A_31, %add3A_73 : i32
        %mul3A_75 = arith.constant 120 : i32
        %mul3A_76 = arith.muli %add3A_74, %mul3A_75 : i32
        %dma_start3A_77 = arith.constant 0 : i32
        %dma_start3A_78 = arith.constant 0 : i32
        %dma_start3A_79 = arith.constant 0 : i32
        %dma_start3A_80 = tpu.memref_slice %arg6[%dma_start3A_77, %dma_start3A_78, %dma_start3A_79] : memref<2x120x128xf32, #tpu.memory_space<vmem>> -> memref<1x120x128xf32, #tpu.memory_space<vmem>>
        %dma_start3A_81 = tpu.memref_squeeze %dma_start3A_80 : memref<1x120x128xf32, #tpu.memory_space<vmem>> -> memref<120x128xf32, #tpu.memory_space<vmem>>
        %dma_start3A_82 = tpu.memref_slice %arg5[%mul3A_76] : memref<10320xi32, #tpu.memory_space<vmem>> -> memref<120xi32, #tpu.memory_space<vmem>>
        %dma_start3A_83 = arith.constant 0 : i32
        %dma_start3A_84 = arith.constant 0 : i32
        %dma_start3A_85 = tpu.memref_slice %arg2[%dma_start3A_83, %dma_start3A_84] : memref<100000x128xf32, #tpu.memory_space<hbm>> -> memref<100000x128xf32, #tpu.memory_space<hbm>>
        tpu.enqueue_indirect_dma source(%dma_start3A_85 : memref<100000x128xf32, #tpu.memory_space<hbm>>) target(%dma_start3A_81 : memref<120x128xf32, #tpu.memory_space<vmem>>) offsets(%dma_start3A_82 : memref<120xi32, #tpu.memory_space<vmem>>) semaphore(%arg7 : memref<!tpu.dma_semaphore, #tpu.memory_space<semaphore_mem>>)
      } else {
      }
      %mul3A_48 = arith.constant 2 : i32
      %mul3A_49 = arith.muli %scan3A_27, %mul3A_48 : i32
      %add3A_50 = arith.constant 1 : i32
      %add3A_51 = arith.addi %mul3A_49, %add3A_50 : i32
      %dma_wait3A_52 = arith.constant 1 : i32
      %dma_wait3A_53 = arith.constant 0 : i32
      %dma_wait3A_54 = arith.constant 0 : i32
      %dma_wait3A_55 = tpu.memref_slice %arg6[%dma_wait3A_52, %dma_wait3A_53, %dma_wait3A_54] : memref<2x120x128xf32, #tpu.memory_space<vmem>> -> memref<1x120x128xf32, #tpu.memory_space<vmem>>
      %dma_wait3A_56 = tpu.memref_squeeze %dma_wait3A_55 : memref<1x120x128xf32, #tpu.memory_space<vmem>> -> memref<120x128xf32, #tpu.memory_space<vmem>>
      %dma_wait3A_57 = arith.constant 0 : i32
      %dma_wait3A_58 = tpu.memref_slice %arg5[%dma_wait3A_57] : memref<10320xi32, #tpu.memory_space<vmem>> -> memref<120xi32, #tpu.memory_space<vmem>>
      %dma_wait3A_59 = arith.constant 0 : i32
      %dma_wait3A_60 = arith.constant 0 : i32
      %dma_wait3A_61 = tpu.memref_slice %arg2[%dma_wait3A_59, %dma_wait3A_60] : memref<100000x128xf32, #tpu.memory_space<hbm>> -> memref<100000x128xf32, #tpu.memory_space<hbm>>
      tpu.wait_indirect_dma semaphore(%arg8 : memref<!tpu.dma_semaphore, #tpu.memory_space<semaphore_mem>>) src(%dma_wait3A_61 : memref<100000x128xf32, #tpu.memory_space<hbm>>) dst(%dma_wait3A_56 : memref<120x128xf32, #tpu.memory_space<vmem>>)
      %mul3A_62 = arith.constant 120 : i32
      %mul3A_63 = arith.muli %add3A_51, %mul3A_62 : i32
      %add3A_64 = arith.addi %mul3A_2, %mul3A_63 : i32
      %run_scoped3A_65 = arith.constant 1 : i32
      "tpu.region"() ({
        %run_scoped3A_73 = tpu.sem_alloc : memref<!tpu.dma_semaphore, #tpu.memory_space<semaphore_mem>>
        %dma_start3A_74 = arith.constant 0 : i32
        %dma_start3A_75 = arith.constant 0 : i32
        %dma_start3A_76 = tpu.memref_slice %arg6[%run_scoped3A_65, %dma_start3A_74, %dma_start3A_75] : memref<2x120x128xf32, #tpu.memory_space<vmem>> -> memref<1x120x128xf32, #tpu.memory_space<vmem>>
        %dma_start3A_77 = tpu.memref_squeeze %dma_start3A_76 : memref<1x120x128xf32, #tpu.memory_space<vmem>> -> memref<120x128xf32, #tpu.memory_space<vmem>>
        %dma_start3A_78 = arith.constant 0 : i32
        %dma_start3A_79 = tpu.memref_slice %arg4[%add3A_64, %dma_start3A_78] : memref<330240x128xf32, #tpu.memory_space<hbm>> -> memref<120x128xf32, #tpu.memory_space<hbm>>
        %dma_start3A_80 = arith.constant 0 : i32
        %dma_start3A_81 = tpu.memref_slice %arg4[%add3A_64, %dma_start3A_80] : memref<330240x128xf32, #tpu.memory_space<hbm>> -> memref<120x128xf32, #tpu.memory_space<hbm>>
        %dma_start3A_82 = arith.constant 0 : i32
        %dma_start3A_83 = arith.constant 0 : i32
        %dma_start3A_84 = tpu.memref_slice %arg6[%run_scoped3A_65, %dma_start3A_82, %dma_start3A_83] : memref<2x120x128xf32, #tpu.memory_space<vmem>> -> memref<1x120x128xf32, #tpu.memory_space<vmem>>
        %dma_start3A_85 = tpu.memref_squeeze %dma_start3A_84 : memref<1x120x128xf32, #tpu.memory_space<vmem>> -> memref<120x128xf32, #tpu.memory_space<vmem>>
        tpu.enqueue_dma source(%dma_start3A_85 : memref<120x128xf32, #tpu.memory_space<vmem>>) target(%dma_start3A_81 : memref<120x128xf32, #tpu.memory_space<hbm>>) target_semaphore(%run_scoped3A_73 : memref<!tpu.dma_semaphore, #tpu.memory_space<semaphore_mem>>)
        %dma_wait3A_86 = arith.constant 0 : i32
        %dma_wait3A_87 = arith.constant 0 : i32
        %dma_wait3A_88 = tpu.memref_slice %arg6[%run_scoped3A_65, %dma_wait3A_86, %dma_wait3A_87] : memref<2x120x128xf32, #tpu.memory_space<vmem>> -> memref<1x120x128xf32, #tpu.memory_space<vmem>>
        %dma_wait3A_89 = tpu.memref_squeeze %dma_wait3A_88 : memref<1x120x128xf32, #tpu.memory_space<vmem>> -> memref<120x128xf32, #tpu.memory_space<vmem>>
        %dma_wait3A_90 = arith.constant 0 : i32
        %dma_wait3A_91 = tpu.memref_slice %arg4[%add3A_64, %dma_wait3A_90] : memref<330240x128xf32, #tpu.memory_space<hbm>> -> memref<120x128xf32, #tpu.memory_space<hbm>>
        %dma_wait3A_92 = arith.constant 0 : i32
        %dma_wait3A_93 = tpu.memref_slice %arg4[%add3A_64, %dma_wait3A_92] : memref<330240x128xf32, #tpu.memory_space<hbm>> -> memref<120x128xf32, #tpu.memory_space<hbm>>
        %dma_wait3A_94 = arith.constant 0 : i32
        %dma_wait3A_95 = arith.constant 0 : i32
        %dma_wait3A_96 = tpu.memref_slice %arg6[%run_scoped3A_65, %dma_wait3A_94, %dma_wait3A_95] : memref<2x120x128xf32, #tpu.memory_space<vmem>> -> memref<1x120x128xf32, #tpu.memory_space<vmem>>
        %dma_wait3A_97 = tpu.memref_squeeze %dma_wait3A_96 : memref<1x120x128xf32, #tpu.memory_space<vmem>> -> memref<120x128xf32, #tpu.memory_space<vmem>>
        tpu.wait_dma2 semaphore(%run_scoped3A_73 : memref<!tpu.dma_semaphore, #tpu.memory_space<semaphore_mem>>) src(%dma_wait3A_97 : memref<120x128xf32, #tpu.memory_space<vmem>>) dst(%dma_wait3A_93 : memref<120x128xf32, #tpu.memory_space<hbm>>)
        tpu.yield
      }) : () -> ()
      %add3A_66 = arith.constant 2 : i32
      %add3A_67 = arith.addi %add3A_51, %add3A_66 : i32
      %lt3A_68 = arith.constant 86 : i32
      %lt3A_69 = arith.cmpi slt, %add3A_67, %lt3A_68 : i32
      %convert_element_type3A_70 = arith.extui %lt3A_69 : i1 to i32
      %cond3A_71 = arith.constant 0 : i32
      %cond3A_72 = arith.cmpi ne, %convert_element_type3A_70, %cond3A_71 : i32
      scf.if %cond3A_72 {
        %add3A_73 = arith.constant 2 : i32
        %add3A_74 = arith.addi %add3A_51, %add3A_73 : i32
        %mul3A_75 = arith.constant 120 : i32
        %mul3A_76 = arith.muli %add3A_74, %mul3A_75 : i32
        %dma_start3A_77 = arith.constant 1 : i32
        %dma_start3A_78 = arith.constant 0 : i32
        %dma_start3A_79 = arith.constant 0 : i32
        %dma_start3A_80 = tpu.memref_slice %arg6[%dma_start3A_77, %dma_start3A_78, %dma_start3A_79] : memref<2x120x128xf32, #tpu.memory_space<vmem>> -> memref<1x120x128xf32, #tpu.memory_space<vmem>>
        %dma_start3A_81 = tpu.memref_squeeze %dma_start3A_80 : memref<1x120x128xf32, #tpu.memory_space<vmem>> -> memref<120x128xf32, #tpu.memory_space<vmem>>
        %dma_start3A_82 = tpu.memref_slice %arg5[%mul3A_76] : memref<10320xi32, #tpu.memory_space<vmem>> -> memref<120xi32, #tpu.memory_space<vmem>>
        %dma_start3A_83 = arith.constant 0 : i32
        %dma_start3A_84 = arith.constant 0 : i32
        %dma_start3A_85 = tpu.memref_slice %arg2[%dma_start3A_83, %dma_start3A_84] : memref<100000x128xf32, #tpu.memory_space<hbm>> -> memref<100000x128xf32, #tpu.memory_space<hbm>>
        tpu.enqueue_indirect_dma source(%dma_start3A_85 : memref<100000x128xf32, #tpu.memory_space<hbm>>) target(%dma_start3A_81 : memref<120x128xf32, #tpu.memory_space<vmem>>) offsets(%dma_start3A_82 : memref<120xi32, #tpu.memory_space<vmem>>) semaphore(%arg8 : memref<!tpu.dma_semaphore, #tpu.memory_space<semaphore_mem>>)
      } else {
      }
    }
    %scan3A_26 = arith.constant 43 : i32
    return
  }
}

module attributes {stable_mosaic.version = 14 : i64} {
  func.func @_attention_body(%arg0: i32, %arg1: memref<12800x128xf32, #tpu.memory_space<vmem>>, %arg2: memref<400x128xf32, #tpu.memory_space<vmem>>, %arg3: memref<256x128xf32, #tpu.memory_space<vmem>>, %arg4: memref<1x128xf32, #tpu.memory_space<vmem>>, %arg5: memref<128x128xf32, #tpu.memory_space<vmem>>, %arg6: memref<1x128xf32, #tpu.memory_space<vmem>>, %arg7: memref<128x1xf32, #tpu.memory_space<vmem>>, %arg8: memref<400x128xf32, #tpu.memory_space<vmem>>) attributes {dimension_semantics = [#tpu.dimension_semantics<parallel>], iteration_bounds = array<i64: 25>, scalar_prefetch = 0 : i64, scratch_operands = 0 : i64, tpu.core_type = #tpu.core_type<tc>, window_params = [{transform_indices = @transform_0, window_bounds = array<i64: 12800, 128>}, {transform_indices = @transform_1, window_bounds = array<i64: 400, 128>}, {pipeline_mode = #tpu.pipeline_mode<synchronous>, transform_indices = @transform_2, window_bounds = array<i64: 256, 128>}, {pipeline_mode = #tpu.pipeline_mode<synchronous>, transform_indices = @transform_3, window_bounds = array<i64: 1, 128>}, {pipeline_mode = #tpu.pipeline_mode<synchronous>, transform_indices = @transform_4, window_bounds = array<i64: 128, 128>}, {pipeline_mode = #tpu.pipeline_mode<synchronous>, transform_indices = @transform_5, window_bounds = array<i64: 1, 128>}, {pipeline_mode = #tpu.pipeline_mode<synchronous>, transform_indices = @transform_6, window_bounds = array<i64: 128, 1>}, {transform_indices = @transform_7, window_bounds = array<i64: 400, 128>}]} {
    %get3A = arith.constant 0 : index
    %get3A_0 = arith.constant 0 : index
    %get3A_1 = vector.load %arg1[%get3A, %get3A_0] : memref<12800x128xf32, #tpu.memory_space<vmem>>, vector<12800x128xf32>
    %reshape3A = vector.shape_cast %get3A_1 : vector<12800x128xf32> to vector<32x400x128xf32>
    %get3A_2 = arith.constant 0 : index
    %get3A_3 = arith.constant 0 : index
    %get3A_4 = vector.load %arg1[%get3A_2, %get3A_3] : memref<12800x128xf32, #tpu.memory_space<vmem>>, vector<12800x128xf32>
    %get3A_5 = arith.constant 0 : index
    %get3A_6 = arith.constant 0 : index
    %get3A_7 = vector.load %arg3[%get3A_5, %get3A_6] : memref<256x128xf32, #tpu.memory_space<vmem>>, vector<256x128xf32>
    %get3A_8 = arith.constant 0 : index
    %get3A_9 = arith.constant 0 : index
    %get3A_10 = vector.load %arg2[%get3A_8, %get3A_9] : memref<400x128xf32, #tpu.memory_space<vmem>>, vector<400x128xf32>
    %slice3A = vector.extract_strided_slice %get3A_7 {offsets = [128, 0], sizes = [128, 128], strides = [1, 1]} : vector<256x128xf32> to vector<128x128xf32>
    %dot_general3A = arith.constant dense<0.000000e+00> : vector<400x128xf32>
    %dot_general3A_11 = tpu.matmul %get3A_10, %slice3A, %dot_general3A {dimension_numbers = #tpu.dot_dimension_numbers<[1], [0], [0], [1], [0, 0, 1, 1], [], []>, transpose_lhs_hint = false} : vector<400x128xf32>, vector<128x128xf32>, vector<400x128xf32> -> vector<400x128xf32>
    %get3A_12 = arith.constant 0 : index
    %get3A_13 = arith.constant 0 : index
    %get3A_14 = vector.load %arg4[%get3A_12, %get3A_13] : memref<1x128xf32, #tpu.memory_space<vmem>>, vector<1x128xf32>
    %add3A = vector.broadcast %get3A_14 : vector<1x128xf32> to vector<400x128xf32>
    %add3A_15 = arith.addf %dot_general3A_11, %add3A : vector<400x128xf32>
    %slice3A_16 = vector.extract_strided_slice %get3A_7 {offsets = [0, 0], sizes = [128, 128], strides = [1, 1]} : vector<256x128xf32> to vector<128x128xf32>
    %dot_general3A_17 = arith.constant dense<0.000000e+00> : vector<12800x128xf32>
    %dot_general3A_18 = tpu.matmul %get3A_4, %slice3A_16, %dot_general3A_17 {dimension_numbers = #tpu.dot_dimension_numbers<[1], [0], [0], [1], [0, 0, 1, 1], [], []>, transpose_lhs_hint = false} : vector<12800x128xf32>, vector<128x128xf32>, vector<12800x128xf32> -> vector<12800x128xf32>
    %broadcast_in_dim3A = vector.shape_cast %add3A_15 : vector<400x128xf32> to vector<1x400x128xf32>
    %broadcast_in_dim3A_19 = vector.shape_cast %broadcast_in_dim3A : vector<1x400x128xf32> to vector<1x400x128xf32>
    %broadcast_in_dim3A_20 = vector.broadcast %broadcast_in_dim3A_19 : vector<1x400x128xf32> to vector<32x400x128xf32>
    %reshape3A_21 = vector.shape_cast %broadcast_in_dim3A_20 : vector<32x400x128xf32> to vector<12800x128xf32>
    %add3A_22 = arith.addf %dot_general3A_18, %reshape3A_21 : vector<12800x128xf32>
    %max3A = arith.constant 0.000000e+00 : f32
    %max3A_23 = vector.broadcast %max3A : f32 to vector<12800x128xf32>
    %max3A_24 = arith.maximumf %add3A_22, %max3A_23 : vector<12800x128xf32>
    %convert_element_type3A = arith.truncf %max3A_24 : vector<12800x128xf32> to vector<12800x128xbf16>
    %get3A_25 = arith.constant 0 : index
    %get3A_26 = arith.constant 0 : index
    %get3A_27 = vector.load %arg5[%get3A_25, %get3A_26] : memref<128x128xf32, #tpu.memory_space<vmem>>, vector<128x128xf32>
    %convert_element_type3A_28 = arith.truncf %get3A_27 : vector<128x128xf32> to vector<128x128xbf16>
    %dot_general3A_29 = arith.constant dense<0.000000e+00> : vector<12800x128xf32>
    %dot_general3A_30 = tpu.matmul %convert_element_type3A, %convert_element_type3A_28, %dot_general3A_29 {dimension_numbers = #tpu.dot_dimension_numbers<[1], [0], [0], [1], [0, 0, 1, 1], [], []>, transpose_lhs_hint = false} : vector<12800x128xbf16>, vector<128x128xbf16>, vector<12800x128xf32> -> vector<12800x128xf32>
    %get3A_31 = arith.constant 0 : index
    %get3A_32 = arith.constant 0 : index
    %get3A_33 = vector.load %arg6[%get3A_31, %get3A_32] : memref<1x128xf32, #tpu.memory_space<vmem>>, vector<1x128xf32>
    %add3A_34 = vector.broadcast %get3A_33 : vector<1x128xf32> to vector<12800x128xf32>
    %add3A_35 = arith.addf %dot_general3A_30, %add3A_34 : vector<12800x128xf32>
    %max3A_36 = arith.constant 0.000000e+00 : f32
    %max3A_37 = vector.broadcast %max3A_36 : f32 to vector<12800x128xf32>
    %max3A_38 = arith.maximumf %add3A_35, %max3A_37 : vector<12800x128xf32>
    %convert_element_type3A_39 = arith.truncf %max3A_38 : vector<12800x128xf32> to vector<12800x128xbf16>
    %get3A_40 = arith.constant 0 : index
    %get3A_41 = arith.constant 0 : index
    %get3A_42 = vector.load %arg7[%get3A_40, %get3A_41] : memref<128x1xf32, #tpu.memory_space<vmem>>, vector<128x1xf32>
    %convert_element_type3A_43 = arith.truncf %get3A_42 : vector<128x1xf32> to vector<128x1xbf16>
    %dot_general3A_44 = arith.constant dense<0.000000e+00> : vector<12800x1xf32>
    %dot_general3A_45 = tpu.matmul %convert_element_type3A_39, %convert_element_type3A_43, %dot_general3A_44 {dimension_numbers = #tpu.dot_dimension_numbers<[1], [0], [0], [1], [0, 0, 1, 1], [], []>, transpose_lhs_hint = false} : vector<12800x128xbf16>, vector<128x1xbf16>, vector<12800x1xf32> -> vector<12800x1xf32>
    %exp3A = math.exp %dot_general3A_45 : vector<12800x1xf32>
    %reshape3A_46 = vector.shape_cast %exp3A : vector<12800x1xf32> to vector<32x400x1xf32>
    %broadcast_in_dim3A_47 = vector.shape_cast %reshape3A_46 : vector<32x400x1xf32> to vector<32x400x1xf32>
    %broadcast_in_dim3A_48 = vector.broadcast %broadcast_in_dim3A_47 : vector<32x400x1xf32> to vector<32x400x128xf32>
    %mul3A = arith.mulf %broadcast_in_dim3A_48, %reshape3A : vector<32x400x128xf32>
    %reduce_sum3A = arith.constant dense<0.000000e+00> : vector<400x128xf32>
    %reduce_sum3A_49 = vector.multi_reduction <add>, %mul3A, %reduce_sum3A [0] : vector<32x400x128xf32> to vector<400x128xf32>
    %reduce_sum3A_50 = arith.constant dense<0.000000e+00> : vector<400x128xf32>
    %reduce_sum3A_51 = vector.multi_reduction <add>, %broadcast_in_dim3A_48, %reduce_sum3A_50 [0] : vector<32x400x128xf32> to vector<400x128xf32>
    %div3A = arith.divf %reduce_sum3A_49, %reduce_sum3A_51 : vector<400x128xf32>
    %swap3A = arith.constant 0 : index
    %swap3A_52 = arith.constant 0 : index
    %swap3A_53 = vector.load %arg8[%swap3A, %swap3A_52] : memref<400x128xf32, #tpu.memory_space<vmem>>, vector<400x128xf32>
    tpu.vector_store %arg8[%swap3A, %swap3A_52], %div3A {strides = array<i32>} : memref<400x128xf32, #tpu.memory_space<vmem>>, vector<400x128xf32>,
    return
  }
  func.func @transform_0(%arg0: i32) -> (i32, i32) {
    %c0_i32 = arith.constant 0 : i32
    %c0_i32_0 = arith.constant 0 : i32
    return %arg0, %c0_i32 : i32, i32
  }
  func.func @transform_1(%arg0: i32) -> (i32, i32) {
    %add3A = arith.constant 800 : i32
    %add3A_0 = arith.addi %arg0, %add3A : i32
    %c0_i32 = arith.constant 0 : i32
    %c0_i32_1 = arith.constant 0 : i32
    return %add3A_0, %c0_i32 : i32, i32
  }
  func.func @transform_2(%arg0: i32) -> (i32, i32) {
    %c0_i32 = arith.constant 0 : i32
    %c0_i32_0 = arith.constant 0 : i32
    %c0_i32_1 = arith.constant 0 : i32
    return %c0_i32, %c0_i32_0 : i32, i32
  }
  func.func @transform_3(%arg0: i32) -> (i32, i32) {
    %c0_i32 = arith.constant 0 : i32
    %c0_i32_0 = arith.constant 0 : i32
    %c0_i32_1 = arith.constant 0 : i32
    return %c0_i32, %c0_i32_0 : i32, i32
  }
  func.func @transform_4(%arg0: i32) -> (i32, i32) {
    %c0_i32 = arith.constant 0 : i32
    %c0_i32_0 = arith.constant 0 : i32
    %c0_i32_1 = arith.constant 0 : i32
    return %c0_i32, %c0_i32_0 : i32, i32
  }
  func.func @transform_5(%arg0: i32) -> (i32, i32) {
    %c0_i32 = arith.constant 0 : i32
    %c0_i32_0 = arith.constant 0 : i32
    %c0_i32_1 = arith.constant 0 : i32
    return %c0_i32, %c0_i32_0 : i32, i32
  }
  func.func @transform_6(%arg0: i32) -> (i32, i32) {
    %c0_i32 = arith.constant 0 : i32
    %c0_i32_0 = arith.constant 0 : i32
    %c0_i32_1 = arith.constant 0 : i32
    return %c0_i32, %c0_i32_0 : i32, i32
  }
  func.func @transform_7(%arg0: i32) -> (i32, i32) {
    %c0_i32 = arith.constant 0 : i32
    %c0_i32_0 = arith.constant 0 : i32
    return %arg0, %c0_i32 : i32, i32
  }
}

</mosaic_0001>

<sc_bundles>
// kernel: kernel.4.cloned.1.call-start
scs
__scs_entry_jumppad:
0x0: {  	(pc) =	sbr.rel $0x88, $3  }
0x1: {  	(tag) =	ssettag $0x0;
	lr =	simm.s32 $0x1  }
0x2: {  	[smem:$0x3F99] =	sst lr;
	_ =	strace $0xD0000000  }
0x3: {  	_ = 	snop  }
0x4: {  	_ = 	snop  }
0x5: {  	_ = 	snop  }
0x6: {  	_ = 	snop  }
0x7: {  	_ = 	snop  }
__scs_overlays_trampoline_lowered:
0x8: {  	[smem:$0x3FA8] =	sst s0  }
0x9: {  	[smem:$0x3FA9] =	sst s1  }
0xa: {  	[smem:$0x3FAA] =	sst s2  }
0xb: {  	[smem:$0x3FAB] =	sst s3  }
0xc: {  	[smem:$0x3FAC] =	sst s4  }
0xd: {  	[smem:$0x3FAD] =	sst s5  }
0xe: {  	[smem:$0x3FAE] =	sst s6  }
0xf: {  	[smem:$0x3FAF] =	sst s7  }
0x10: {  	[smem:$0x3FB0] =	sst s8  }
0x11: {  	[smem:$0x3FB1] =	sst s9;
	s0 =	simm.s32 @!p0 $0x0  }
0x12: {  	s1 =	sld [smem:$0x3F97];
	s0 =	simm.s32 @p0 $0x1  }
0x13: {  	[smem:$0x3FB2] =	sst s0;
	s0 =	simm.s32 @!p1 $0x0  }
0x14: {  	s2 =	sld [smem:$0x3F96];
	s0 =	simm.s32 @p1 $0x1  }
0x15: {  	[smem:$0x3FB3] =	sst s0;
	s0 =	simm.s32 @!p2 $0x0  }
0x16: {  	s3 =	sld [smem:$0x3FDB];
	s0 =	simm.s32 @p2 $0x1  }
0x17: {  	s4 =	simm.s32 $0x1BF5;
	[smem:$0x3FB5] =	sst s0  }
0x18: {  	s0 =	sld [smem:$0x3F98];
	_ =	swait.ge [sflag:s4], $0x0  }
0x19: {  	s7 =	sld [smem:$0x3F99]  }
0x1a: {  	s8 =	sadd.s32 $0xFFFFE003, lr  }
0x1b: {  	s9 =	sadd.s32 $0xFFFFFEF7, lr;
	s5 =	simm.s32 $0xFFFFFFFF;
	p2 =	slt.u32 s8, $0xFFFFF086  }
0x1c: {  	p1 =	slt.u32 s9, $0xF7A;
	s5 =	simm.s32 @!p2 $0x0  }
0x1d: {  	s5 =	simm.s32 @p1 $0x1;
	p0 =	seq.s32 s7, s2  }
0x1e: {  	s7 =	smul.u32 @!p0 $0xF7A, s2;
	p2 =	seq.s32 @!p0 s5, $0x0  }
0x1f: {  	s9 =	smul.u32 $0xF7A, s1;
	s8 =	simm.s32 @!p0 $0x1BF5;
	p2 =	por !p2, p0  }
0x20: {  	[sflag:s8] =	ssyncset.s32 @!p0 $0xFFFFF086;
	s6 =	sadd.s32 @!p0 s3, s7;
	s7 =	simm.s32 @!p0 $0x108  }
0x21: {  	s3 =	sadd.s32 s3, s9;
	s6 =	sadd.s32 @!p0 $0x88, s6;
	s7 =	simm.s32 @p2 $0x1082  }
0x22: {  	[simem:s7], [sflag:s8] =	dma.local @!p0 [hbm:s6], $0xF7A  }
0x23: {  	s9 =	sor.u32 $0xD0000000, s2;
	s6 =	simm.s32 $0x108;
	_ =	swait.ge @!p0 [sflag:s8], $0x0  }
0x24: {  	s3 =	sadd.s32 $0x88, s3;
	s6 =	simm.s32 @!p1 $0x1082;
	[sflag:s4] =	ssyncset.s32 $0xFFFFF086  }
0x25: {  	[simem:s6], [sflag:s4] =	dma.local [hbm:s3], $0xF7A  }
0x26: {  	[smem:$0x3F99] =	sst s1;
	(tag) =	ssettag s2;
	_ =	strace s9  }
0x27: {  	s1 =	sld [smem:$0x3FA9]  }
0x28: {  	s2 =	sld [smem:$0x3FAA]  }
0x29: {  	s4 =	sld [smem:$0x3FAC]  }
0x2a: {  	p0 =	seq.s32 s5, $0x0;
	s5 =	sld [smem:$0x3FAD]  }
0x2b: {  	s6 =	sld [smem:$0x3FAE]  }
0x2c: {  	s7 =	sld [smem:$0x3FAF]  }
0x2d: {  	s3 =	simm.s32 $0x108;
	s8 =	sld [smem:$0x3FB0]  }
0x2e: {  	s3 =	simm.s32 @!p0 $0x1082;
	s9 =	sld [smem:$0x3FB1]  }
0x2f: {  	lr =	sadd.s32 s0, s3;
	s0 =	sld [smem:$0x3FA8]  }
0x30: {  	s3 =	sld [smem:$0x3FAB]  }
0x31: {  	[smem:$0x3FB4] =	sst s10  }
0x32: {  	s10 =	sld [smem:$0x3FB2];
	_ =	sdelay $0x3  }
0x33: {  	p0 =	seq.s32 s10, $0x1;
	s10 =	sld [smem:$0x3FB4];
	_ =	sdelay $0x3  }
0x34: {  	[smem:$0x3FB4] =	sst s10  }
0x35: {  	s10 =	sld [smem:$0x3FB3];
	_ =	sdelay $0x3  }
0x36: {  	p1 =	seq.s32 s10, $0x1;
	s10 =	sld [smem:$0x3FB4];
	_ =	sdelay $0x3  }
0x37: {  	[smem:$0x3FB4] =	sst s10  }
0x38: {  	s10 =	sld [smem:$0x3FB5]  }
0x39: {  	_ = 	snop;
	(pc) =	sbr.ind lr, $3  }
0x3a: {  	_ = 	snop  }
0x3b: {  	_ = 	snop  }
0x3c: {  	p2 =	seq.s32 s10, $0x1;
	s10 =	sld [smem:$0x3FB4]  }
0x3d: {  	_ =	shalt  }
0x3e: {  	_ =	shalt  }
0x3f: {  	_ =	shalt  }
0x40: {  	_ =	shalt  }
0x41: {  	_ =	shalt  }
0x42: {  	_ =	shalt  }
0x43: {  	_ =	shalt  }
0x44: {  	_ =	shalt  }
0x45: {  	_ =	shalt  }
0x46: {  	_ =	shalt  }
0x47: {  	_ =	shalt  }
0x48: {  	_ =	shalt  }
0x49: {  	_ =	shalt  }
0x4a: {  	_ =	shalt  }
0x4b: {  	_ =	shalt  }
0x4c: {  	_ =	shalt  }
0x4d: {  	_ =	shalt  }
0x4e: {  	_ =	shalt  }
0x4f: {  	_ =	shalt  }
0x50: {  	_ =	shalt  }
0x51: {  	_ =	shalt  }
0x52: {  	_ =	shalt  }
0x53: {  	_ =	shalt  }
0x54: {  	_ =	shalt  }
0x55: {  	_ =	shalt  }
0x56: {  	_ =	shalt  }
0x57: {  	_ =	shalt  }
0x58: {  	_ =	shalt  }
0x59: {  	_ =	shalt  }
0x5a: {  	_ =	shalt  }
0x5b: {  	_ =	shalt  }
0x5c: {  	_ =	shalt  }
0x5d: {  	_ =	shalt  }
0x5e: {  	_ =	shalt  }
0x5f: {  	_ =	shalt  }
0x60: {  	_ =	shalt  }
0x61: {  	_ =	shalt  }
0x62: {  	_ =	shalt  }
0x63: {  	_ =	shalt  }
0x64: {  	_ =	shalt  }
0x65: {  	_ =	shalt  }
0x66: {  	_ =	shalt  }
0x67: {  	_ =	shalt  }
0x68: {  	_ =	shalt  }
0x69: {  	_ =	shalt  }
0x6a: {  	_ =	shalt  }
0x6b: {  	_ =	shalt  }
0x6c: {  	_ =	shalt  }
0x6d: {  	_ =	shalt  }
0x6e: {  	_ =	shalt  }
0x6f: {  	_ =	shalt  }
0x70: {  	_ =	shalt  }
0x71: {  	_ =	shalt  }
0x72: {  	_ =	shalt  }
0x73: {  	_ =	shalt  }
0x74: {  	_ =	shalt  }
0x75: {  	_ =	shalt  }
0x76: {  	_ =	shalt  }
0x77: {  	_ =	shalt  }
0x78: {  	_ =	shalt  }
0x79: {  	_ =	shalt  }
0x7a: {  	_ =	shalt  }
0x7b: {  	_ =	shalt  }
0x7c: {  	_ =	shalt  }
0x7d: {  	_ =	shalt  }
0x7e: {  	_ =	shalt  }
0x7f: {  	_ =	shalt  }
0x80: {  	_ =	shalt  }
0x81: {  	_ =	shalt  }
0x82: {  	_ =	shalt  }
0x83: {  	_ =	shalt  }
0x84: {  	_ =	shalt  }
0x85: {  	_ =	shalt  }
0x86: {  	_ =	shalt  }
0x87: {  	_ =	shalt  }
.Lfunc_end0:
.L_simem_size_0:
called_computation_lowered:
.L_overlay_start_0:
0x88: {  	s2 =	sld [smem:$0x3FD9]  }
0x89: {  	s3 =	sld [smem:$0x3FFE];
	_ =	sdelay $0x1  }
0x8a: {  	s1 =	srdreg.scid  }
0x8b: {  	s0 =	sand.u32 $0x1, s1  }
0x8c: {  	s17 =	sshll.u32 s0, $0xA;
	s2 =	sadd.s32 s3, s2  }
0x8d: {  	s2 =	sadd.s32 s2, s17  }
0x8e: {  	[smem:$0x3FC0] =	sst s2  }
0x8f: {  	_ = 	snop  }
0x90: {  	s2 =	sld [smem:$0x3FC7]  }
0x91: {  	s18 =	sld [smem:$0x3FD0];
	(tm) =	ssettm $0x1  }
0x92: {  	s4 =	sld [smem:$0x3FFB];
	_ =	sdelay $0x3  }
0x93: {  	_ =	strace s4  }
0x94: {  	s4 =	sld [smem:$0x3FFC];
	_ =	sdelay $0x3  }
0x95: {  	_ =	strace s4  }
0x96: {  	s4 =	sld [smem:$0x3FFD];
	_ =	sdelay $0x3  }
0x97: {  	_ =	strace s4  }
0x98: {  	_ =	strace $0x8FFFFFFF  }
0x99: {  	s19 =	sld [smem:$0x3FDB];
	_ =	sdelay $0x1  }
0x9a: {  	s5 =	simm.s32 $_scs_section_size  }
0x9b: {  	s6 =	simm.s32 $_size__tile_overlayer_lowered;
	s7 =	simm.s32 $_tile_overlayer_lowered  }
0x9c: {  	s22 =	simm.s32 $0x1BFF;
	s21 =	sshll.u32 s7, $0x1;
	s4 =	sadd.s32 s5, s19  }
0x9d: {  	s8 =	simm.s32 $0x0;
	s20 =	sshll.u32 s6, $0x1;
	s6 =	sadd.s32 s21, s4  }
0x9e: {  	[timem:s8], [sflag:s22] =	dma.local [hbm:s6], s20  }
0x9f: {  	_ =	swait.ge [sflag:s22], s20  }
0xa0: {  	s5 =	ssub.s32 $0x0, s20;
	[sflag:s22] =	ssyncset.done $0x0  }
0xa1: {  	[sflag:s22] =	ssyncadd.s32 s5;
	_ =	sdelay $0x1  }
0xa2: {  	s23 =	simm.s32 $0x1B8B  }
0xa3: {  	_ =	swait.ge [sflag:s23], $0x1  }
0xa4: {  	[sflag:s23] =	ssyncset.done $0x0  }
0xa5: {  	s25 =	simm.s32 $0x1B8E;
	s24 =	sld [smem:$0x3FFE];
	[sflag:s23] =	ssyncadd.s32 $0xFFFFFFFF  }
0xa6: {  	s26 =	simm.s32 $execute0_lowered;
	[smem:$0x3FD2] =	sst s25  }
0xa7: {  	s6 =	sshll.u32 s26, $0x1;
	_ =	strace $0x80000046;
	[dreg:$0x1] =	wrdreg $0xFFFFFFFF  }
0xa8: {  	s28 =	simm.s32 $_size_execute0_lowered;
	s4 =	sadd.s32 s4, s6;
	[dreg:$0x0] =	wrdreg $0x0  }
0xa9: {  	s6 =	sshll.u32 s28, $0x1;
	[dreg:$0x2] =	wrdreg s4  }
0xaa: {  	[dreg:$0x3] =	wrdreg s6  }
0xab: {  	[dreg:$0x4] =	wrdreg $0xC0  }
0xac: {  	_ =	task [dreg:s8], $0x5FFFF  }
0xad: {  	[dreg:$0x1] =	wrdreg $0xFFFFFFFF  }
0xae: {  	[dreg:$0x0] =	wrdreg $0x60  }
0xaf: {  	[dreg:$0x2] =	wrdreg s2  }
0xb0: {  	[dreg:$0x3] =	wrdreg s18  }
0xb1: {  	[dreg:$0x4] =	wrdreg s24  }
0xb2: {  	[dreg:$0x5] =	wrdreg $0x9  }
0xb3: {  	_ =	task.clear_ibuf [dreg:s8], $0x6FFFF;
	_ =	strace $0x90000046  }
0xb4: {  	s29 =	simm.s32 $0x9;
	_ =	strace $0x80000048  }
0xb5: {  	_ =	swait.ge [sflag:s29], $0x1  }
0xb6: {  	[sflag:s29] =	ssyncadd.s32 $0xFFFFFFFF  }
0xb7: {  	_ =	strace $0x90000048  }
0xb8: {  	_ =	sfence  }
0xb9: {  	s30 =	sld [smem:$0x0];
	_ =	sdelay $0x2  }
0xba: {  	s31 =	sshll.u32 s1, $0xD;
	s1 =	sshrl.u32 s1, $0x2  }
0xbb: {  	s3 =	sand.u32 $0x4000, s31;
	s1 =	sadd.s32 s1, s30  }
0xbc: {  	s0 =	sor.u32 s3, s0;
	s1 =	sshll.u32 s1, $0x11  }
0xbd: {  	s0 =	sor.u32 s1, s0  }
0xbe: {  	s0 =	sadd.s32 $0x8F2B, s0  }
0xbf: {  	[sflag:s0] =	ssyncadd.remote.s32 $0x1  }
0xc0: {  	_ =	sfence.sel $0xFFFF  }
0xc1: {  	[dreg:$0x0] =	wrdreg $0xFFFFFFFF;
	(pc) =	sbr.abs _section_cstart, $3  }
0xc2: {  	[dreg:$0x1] =	wrdreg $0xFFFFFFFF  }
0xc3: {  	_ =	task.clear_ibuf [dreg:s8], $0x2FFFF;
	_ =	strace $0x9FFFFFFF  }
0xc4: {  	(tm) =	ssettm $0x7FFFFFFF  }
0xc5: {  	_ =	shalt  }
tec
execute0_lowered:
.L_overlay_start_1:
0x0: {  	(tag) =	ssettag $0x1  }
0x1: {  	s1 =	rddreg [dreg:$0x0]  }
0x2: {  	s4 =	rddreg [dreg:$0x1]  }
0x3: {  	s5 =	rddreg [dreg:$0x2]  }
0x4: {  	s0 =	rddreg [dreg:$0x3];
	s6 =	srdreg.scid  }
0x5: {  	s2 =	stileid.u32;
	s3 =	simm.s32 $0x0;
	s11 =	simm.s32 $0x2880  }
0x6: {  	s12 =	simm.s32 $0x6480;
	s13 =	simm.s32 $0x1;
	s14 =	simm.s32 $0x2  }
0x7: {  	s15 =	simm.s32 $0x0;
	s6 =	sand.u32 $0x1, s6;
	s7 =	sshll.u32 s2, $0x1  }
0x8: {  	[smem:$0x7FF] =	sst s3;
	s30 =	smul.u32 $0x50A00, s2;
	s7 =	sor.u32 s6, s7  }
0x9: {  	s10 =	sadd.s32 $0x1000, s5;
	s8 =	ssub.s32 $0x2, s6;
	s9 =	smul.u32 $0x2850, s7  }
0xa: {  	_ =	strace $0x80000047;
	s28 =	sshrl.u32 s8, $0x1;
	s7 =	smul.u32 $0x28500, s7  }
0xb: {  	s31 =	smul.u32 $0x28500, s6;
	s5 =	ssub.s32 s8, s28;
	s29 =	sshrl.u32 s9, $0x3  }
0xc: {  	s7 =	sadd.s32 s10, s7;
	s5 =	smax.u32 s5, $0x1;
	s9 =	sadd.s32 s30, s10  }
0xd: {  	s10 =	simm.s32 $0x78;
	s4 =	sadd.s32 s4, s29;
	s6 =	sadd.s32 $0x27600, s7  }
0xe: {  	s7 =	sadd.s32 $0x27D80, s7;
	s8 =	sadd.s32 s31, s9;
	s9 =	simm.s32 $0x3  }
.LBB2_1:
0xf: {  	[tilespmem:s3], [sflag:$0x3] =	stream.linear.gather [hbm4b:s4+s3], $0x2850, $0x38;
	[tilespmem:$0xA080] =	vst v63  }
0x10: {  	_ =	swait.ge [sflag:s9], $0x2850  }
0x11: {  	[sflag:s9] =	ssyncset.done $0x0  }
0x12: {  	[sflag:s9] =	ssyncadd.s32 $0xFFFFD7B0  }
0x13: {  	[tilespmem:s11], [sflag:$0x1] =	stream.indirect.gather [hbm4b:s1+s10], $0x80, s3, s10, $0xb8;
	[tilespmem:$0xA080] =	vst v63  }
0x14: {  	_ = 	snop  }
0x15: {  	[tilespmem:s12], [sflag:$0x2] =	stream.indirect.gather [hbm4b:s1+s10], $0x80, s10, s10, $0xb8;
	[tilespmem:$0xA080] =	vst v63  }
0x16: {  	_ =	swait.ge [sflag:s13], $0x3C00  }
0x17: {  	[sflag:s13] =	ssyncset.done $0x0  }
0x18: {  	s16 =	sadd.s32 $0x0, s8;
	[sflag:s13] =	ssyncadd.s32 $0xFFFFC400  }
0x19: {  	[hbm4b:s16+s3] =	stream.linear.scatter [tilespmem:s11], [sflag:$0x3], $0x3C00, $0x38;
	[tilespmem:$0xA080] =	vst v63  }
0x1a: {  	_ =	swait.ge [sflag:s9], $0x3C00  }
0x1b: {  	[sflag:s9] =	ssyncset.done $0x0  }
0x1c: {  	s17 =	simm.s32 $0xF0;
	[sflag:s9] =	ssyncadd.s32 $0xFFFFC400  }
0x1d: {  	[tilespmem:s11], [sflag:$0x1] =	stream.indirect.gather [hbm4b:s1+s10], $0x80, s17, s10, $0xb8;
	[tilespmem:$0xA080] =	vst v63  }
0x1e: {  	_ =	swait.ge [sflag:s14], $0x3C00  }
0x1f: {  	[sflag:s14] =	ssyncset.done $0x0  }
0x20: {  	s16 =	sadd.s32 $0x780, s16;
	[sflag:s14] =	ssyncadd.s32 $0xFFFFC400  }
0x21: {  	[hbm4b:s16+s3] =	stream.linear.scatter [tilespmem:s12], [sflag:$0x3], $0x3C00, $0x38;
	[tilespmem:$0xA080] =	vst v63  }
0x22: {  	_ =	swait.ge [sflag:s9], $0x3C00  }
0x23: {  	s18 =	simm.s32 $0x258;
	[sflag:s9] =	ssyncset.done $0x0  }
0x24: {  	s17 =	simm.s32 $0xF00;
	s16 =	simm.s32 $0x168;
	[sflag:s9] =	ssyncadd.s32 $0xFFFFC400  }
.LBB2_2:
0x25: {  	[tilespmem:s12], [sflag:$0x2] =	stream.indirect.gather [hbm4b:s1+s10], $0x80, s16, s10, $0xb8;
	[tilespmem:$0xA080] =	vst v63  }
0x26: {  	s19 =	smov.u32 s17;
	s16 =	smov.u32 s18  }
0x27: {  	p0 =	sne.s32 s17, $0x26700;
	s17 =	sadd.s32 $0xF00, s17;
	_ =	swait.ge [sflag:s13], $0x3C00  }
0x28: {  	[sflag:s13] =	ssyncset.done $0x0  }
0x29: {  	s19 =	sadd.s32 s19, s8;
	[sflag:s13] =	ssyncadd.s32 $0xFFFFC400  }
0x2a: {  	[hbm4b:s19+s3] =	stream.linear.scatter [tilespmem:s11], [sflag:$0x3], $0x3C00, $0x38;
	[tilespmem:$0xA080] =	vst v63  }
0x2b: {  	_ =	swait.ge [sflag:s9], $0x3C00  }
0x2c: {  	[sflag:s9] =	ssyncset.done $0x0  }
0x2d: {  	s20 =	sadd.s32 $0xFFFFFF88, s18;
	[sflag:s9] =	ssyncadd.s32 $0xFFFFC400  }
0x2e: {  	[tilespmem:s11], [sflag:$0x1] =	stream.indirect.gather [hbm4b:s1+s10], $0x80, s20, s10, $0xb8;
	[tilespmem:$0xA080] =	vst v63  }
0x2f: {  	_ =	swait.ge [sflag:s14], $0x3C00  }
0x30: {  	[sflag:s14] =	ssyncset.done $0x0  }
.Ltmp0:
0x31: {  	s19 =	sadd.s32 $0x780, s19;
	[sflag:s14] =	ssyncadd.s32 $0xFFFFC400;
	(pc) =	sbr.rel @p0 .LBB2_2-.Ltmp0, $4  }
0x32: {  	[hbm4b:s19+s3] =	stream.linear.scatter [tilespmem:s12], [sflag:$0x3], $0x3C00, $0x38;
	[tilespmem:$0xA080] =	vst v63  }
0x33: {  	_ =	swait.ge [sflag:s9], $0x3C00  }
0x34: {  	[sflag:s9] =	ssyncset.done $0x0  }
0x35: {  	s18 =	sadd.s32 $0xF0, s18;
	[sflag:s9] =	ssyncadd.s32 $0xFFFFC400  }
0x36: {  	[tilespmem:s12], [sflag:$0x2] =	stream.indirect.gather [hbm4b:s1+s10], $0x80, s16, s10, $0xb8;
	[tilespmem:$0xA080] =	vst v63  }
0x37: {  	_ =	swait.ge [sflag:s13], $0x3C00  }
0x38: {  	[sflag:s13] =	ssyncset.done $0x0  }
0x39: {  	[sflag:s13] =	ssyncadd.s32 $0xFFFFC400  }
0x3a: {  	[hbm4b:s6+s3] =	stream.linear.scatter [tilespmem:s11], [sflag:$0x3], $0x3C00, $0x38;
	[tilespmem:$0xA080] =	vst v63  }
0x3b: {  	_ =	swait.ge [sflag:s9], $0x3C00  }
0x3c: {  	[sflag:s9] =	ssyncset.done $0x0  }
0x3d: {  	[sflag:s9] =	ssyncadd.s32 $0xFFFFC400  }
0x3e: {  	s15 =	sadd.s32 $0x1, s15;
	_ =	swait.ge [sflag:s14], $0x3C00  }
0x3f: {  	p0 =	sne.s32 s15, s5;
	[sflag:s14] =	ssyncset.done $0x0  }
.Ltmp1:
0x40: {  	[sflag:s14] =	ssyncadd.s32 $0xFFFFC400;
	(pc) =	sbr.rel @p0 .LBB2_1-.Ltmp1, $4  }
0x41: {  	[hbm4b:s7+s3] =	stream.linear.scatter [tilespmem:s12], [sflag:$0x3], $0x3C00, $0x38;
	[tilespmem:$0xA080] =	vst v63  }
0x42: {  	_ =	swait.ge [sflag:s9], $0x3C00  }
0x43: {  	[sflag:s9] =	ssyncset.done $0x0  }
0x44: {  	[sflag:s9] =	ssyncadd.s32 $0xFFFFC400  }
0x45: {  	_ =	sfence.sel $0x180000  }
0x46: {  	[bflag:$0x0] =	sbarrier.arrive $0xFFFF  }
0x47: {  	p0 =	sne.s32 s2, $0x0;
	_ =	strace $0x90000047  }
0x48: {  	s0 =	sadd.s32 @!p0 $0x100000, s0;
	[bflag:$0x2] =	sbarrier.arrive $0xFFFF  }
0x49: {  	[sflag:s0] =	ssyncadd.tile.s32 @!p0 $0x1;
	_ =	shalt  }
.Lfunc_end2:
_tile_overlayer_lowered:
.L_overlay_start_2:
0x4a: {  	(tag) =	ssettag $0x2  }
0x4b: {  	s0 =	rddreg [dreg:$0x0];
	s2 =	stileid.u32  }
0x4c: {  	s1 =	rddreg [dreg:$0x1];
	p0 =	sne.s32 s2, $0x0  }
0x4d: {  	s3 =	rddreg [dreg:$0x2];
	[bflag:$0x3] =	sbarrier.arrive $0xFFFF;
	s2 =	simm.s32 @!p0 $0x1C03  }
0x4e: {  	[timem:s3], [sflag:s2] =	dma.local @!p0 [hbm:s0], s1  }
0x4f: {  	s0 =	simm.s32 @!p0 $0x3  }
0x50: {  	_ =	swait.ge @!p0 [sflag:s0], s1  }
0x51: {  	s1 =	ssub.s32 @!p0 $0x0, s1;
	[sflag:s0] =	ssyncset.done @!p0 $0x0  }
0x52: {  	[sflag:s0] =	ssyncadd.s32 @!p0 s1  }
0x53: {  	[bflag:$0x3] =	sbarrier.arrive $0xFFFF  }
0x54: {  	_ =	shalt  }

</sc_bundles>
